<compile_context>
chip_gen: v7x
topology: tpu7x:2x2x1
jax: 0.10.2.dev20260603
libtpu: 0.0.44.dev20260713+nightly
codegen_flags: <defaults>
</compile_context>

<pallas_src>
import functools

import jax
import jax.numpy as jnp
import numpy as np
from jax import lax
from jax.experimental import pallas as pl
from jax.experimental.pallas import tpu as pltpu
from jax.experimental.pallas import tpu_sc as plsc

_PL = 48
_NC = 16
_DIM = 3


@functools.lru_cache(maxsize=None)
def _make_knn(B, N, M, K, Mb):
    grid = (B, M // Mb)

    def body(npts_ref, ptst_ref, idx_ref):
        q = npts_ref[0]
        p = ptst_ref[0]
        d2 = (q[:, 0:1] - p[0:1, :]) ** 2
        d2 = d2 + (q[:, 1:2] - p[1:2, :]) ** 2
        d2 = d2 + (q[:, 2:3] - p[2:3, :]) ** 2
        iota = jax.lax.broadcasted_iota(jnp.int32, (Mb, N), 1)
        work = d2
        cols = []
        for _ in range(K):
            ik = jnp.argmin(work, axis=1).astype(jnp.int32)[:, None]
            cols.append(ik)
            work = jnp.where(iota == ik, jnp.float32(jnp.inf), work)
        idx_ref[0] = jnp.concatenate(cols, axis=1)

    return pl.pallas_call(
        body,
        grid=grid,
        in_specs=[
            pl.BlockSpec((1, Mb, 3), lambda b, i: (b, i, 0)),
            pl.BlockSpec((1, 3, N), lambda b, i: (b, 0, 0)),
        ],
        out_specs=pl.BlockSpec((1, Mb, K), lambda b, i: (b, i, 0)),
        out_shape=jax.ShapeDtypeStruct((B, M, K), jnp.int32),
    )


def _knn_idx(pts_src, pts_query, K):
    B, N, _ = pts_src.shape
    M = pts_query.shape[1]
    Mb = min(M, 128 if N >= 8192 else 256)
    pts_t = pts_src.transpose(0, 2, 1)
    return _make_knn(B, N, M, K, Mb)(pts_query, pts_t)


def _gather(arr, idx):
    return jax.vmap(lambda a, i: a[i])(arr, idx)


_SC_CHUNK = 128


@functools.lru_cache(maxsize=None)
def _make_sc_gather(G, R):
    n_w = 32
    per_w = G // n_w
    n_iter = per_w // _SC_CHUNK
    mesh = plsc.VectorSubcoreMesh(core_axis_name="c", subcore_axis_name="s")

    @functools.partial(
        pl.kernel,
        mesh=mesh,
        out_type=jax.ShapeDtypeStruct((G, R), jnp.float32),
        scratch_types=[
            pltpu.VMEM((_SC_CHUNK,), jnp.int32),
            pltpu.VMEM((_SC_CHUNK, R), jnp.float32),
            pltpu.SemaphoreType.DMA,
        ],
    )
    def k(table_hbm, gid_hbm, out_hbm, idx_v, rows_v, sem):
        wid = lax.axis_index("s") * 2 + lax.axis_index("c")
        base = wid * per_w

        def one(i, carry):
            off = base + i * _SC_CHUNK
            pltpu.sync_copy(gid_hbm.at[pl.ds(off, _SC_CHUNK)], idx_v)
            pltpu.async_copy(table_hbm.at[idx_v], rows_v, sem).wait()
            pltpu.sync_copy(rows_v, out_hbm.at[pl.ds(off, _SC_CHUNK)])
            return carry

        lax.fori_loop(0, n_iter, one, 0)

    return k


def _sc_gather_pair(x, pts, idx):
    B, N, Cin = x.shape
    M, K = idx.shape[1], idx.shape[2]
    R = ((Cin + 3 + 127) // 128) * 128
    table = jnp.concatenate(
        [x.reshape(B * N, Cin), pts.reshape(B * N, 3),
         jnp.zeros((B * N, R - Cin - 3), jnp.float32)], axis=1)
    gid = (idx + (jnp.arange(B, dtype=jnp.int32) * N)[:, None, None]).reshape(-1)
    rows = _make_sc_gather(B * M * K, R)(table, gid)
    feats = rows[:, :Cin].reshape(B, M, K, Cin)
    ptsg = rows[:, Cin:Cin + 3].reshape(B, M, K, 3)
    return feats, ptsg


def _ptconv(p, x, pts, K, next_pts, use_sc=True):
    B, N, Cin = x.shape
    if isinstance(next_pts, int):
        if next_pts == N:
            npts = pts
        else:
            stride = N // next_pts
            npts = pts[:, ::stride][:, :next_pts]
    else:
        npts = next_pts
    M = npts.shape[1]
    idx = _knn_idx(pts, npts, K)
    if use_sc and (B * M * K) % (32 * _SC_CHUNK) == 0:
        feats, ptsg = _sc_gather_pair(x, pts, idx)
    else:
        feats = _gather(x, idx)
        ptsg = _gather(pts, idx)
    rel = ptsg - npts[:, :, None, :]
    maxi = jnp.sqrt(jnp.max(jnp.sum(jax.lax.stop_gradient(rel) ** 2, axis=-1), axis=-1))
    maxi = jnp.where(maxi == 0.0, 1.0, maxi)
    rel = rel / maxi[:, :, None, None]
    dists = (rel[:, :, :, None, :] - p["centers"]).reshape(B, M, K, -1)
    h = jax.nn.relu(dists @ p["l1w"] + p["l1b"])
    h = jax.nn.relu(h @ p["l2w"] + p["l2b"])
    h = jax.nn.relu(h @ p["l3w"] + p["l3b"])
    fs = jnp.einsum('bmkc,bmkn->bmcn', feats, h).reshape(B, M, -1)
    out = fs @ p["weight"].reshape(-1, p["weight"].shape[2])
    out = out / K
    return out, npts


def _bn(bp, x):
    mean = jnp.mean(x, axis=(0, 1))
    var = jnp.var(x, axis=(0, 1))
    return bp["gamma"] * (x - mean) / jnp.sqrt(var + 1e-5) + bp["beta"]


def _fc_kernel(x_ref, w_ref, b_ref, o_ref):
    o_ref[...] = jnp.dot(x_ref[...], w_ref[...],
                         preferred_element_type=jnp.float32) + b_ref[...]


def _fc_pallas(x2d, w, b):
    R, C = x2d.shape
    O = w.shape[1]
    return pl.pallas_call(
        _fc_kernel,
        out_shape=jax.ShapeDtypeStruct((R, O), jnp.float32),
    )(x2d, w, b[None, :])


def kernel(x, input_pts, params):
    r = jax.nn.relu
    x1, pts1 = _ptconv(params["cv1"], x, input_pts, 16, 2048)
    x1 = r(_bn(params["bn_cv1"], x1))
    x2, pts2 = _ptconv(params["cv2"], x1, pts1, 16, 1024)
    x2 = r(_bn(params["bn_cv2"], x2))
    x3, pts3 = _ptconv(params["cv3"], x2, pts2, 16, 256)
    x3 = r(_bn(params["bn_cv3"], x3))
    x4, pts4 = _ptconv(params["cv4"], x3, pts3, 8, 64)
    x4 = r(_bn(params["bn_cv4"], x4))
    x5, pts5 = _ptconv(params["cv5"], x4, pts4, 8, 16)
    x5 = r(_bn(params["bn_cv5"], x5))
    x6, pts6 = _ptconv(params["cv6"], x5, pts5, 4, 8)
    x6 = r(_bn(params["bn_cv6"], x6))
    x5d, _ = _ptconv(params["cv5d"], x6, pts6, 4, pts5)
    x5d = r(_bn(params["bn_cv5d"], x5d))
    x5d = jnp.concatenate([x5d, x5], axis=2)
    x4d, _ = _ptconv(params["cv4d"], x5d, pts5, 4, pts4)
    x4d = r(_bn(params["bn_cv4d"], x4d))
    x4d = jnp.concatenate([x4d, x4], axis=2)
    x3d, _ = _ptconv(params["cv3d"], x4d, pts4, 4, pts3)
    x3d = r(_bn(params["bn_cv3d"], x3d))
    x3d = jnp.concatenate([x3d, x3], axis=2)
    x2d, _ = _ptconv(params["cv2d"], x3d, pts3, 8, pts2)
    x2d = r(_bn(params["bn_cv2d"], x2d))
    x2d = jnp.concatenate([x2d, x2], axis=2)
    x1d, _ = _ptconv(params["cv1d"], x2d, pts2, 8, pts1)
    x1d = r(_bn(params["bn_cv1d"], x1d))
    x1d = jnp.concatenate([x1d, x1], axis=2)
    x0d, _ = _ptconv(params["cv0d"], x1d, pts1, 8, input_pts)
    x0d = r(_bn(params["bn_cv0d"], x0d))
    B, M, C = x0d.shape
    xout = _fc_pallas(x0d.reshape(-1, C), params["fcout_w"], params["fcout_b"])
    return xout.reshape(B, -1, xout.shape[1])

# --- scband reference (transcript-rebuilt; emitter-appended) ---
"""Pipeline reference for scband-net-s3-dis-53068615909413 (READ-ONLY COPY).

The authoritative reference and input builder live on the scoring server;
editing this copy changes nothing except your own understanding.
"""

import jax, jax.numpy as jnp
import numpy as np

PL = 48
NC = 16
DIM = 3
IN_CH = 3
OUT_CH = 13


def _ptconv_params(key, cin, cout, nc=NC, dim=DIM):
    ks = jax.random.split(key, 8)

    def lin(k, fi, fo):
        kw, kb = jax.random.split(k)
        bound = 1.0 / np.sqrt(fi)
        w = jax.random.uniform(kw, (fi, fo), minval=-bound, maxval=bound, dtype=jnp.float32)
        b = jax.random.uniform(kb, (fo,), minval=-bound, maxval=bound, dtype=jnp.float32)
        return w, b

    l1w, l1b = lin(ks[0], dim * nc, 2 * nc)
    l2w, l2b = lin(ks[1], 2 * nc, nc)
    l3w, l3b = lin(ks[2], nc, nc)
    weight = jax.random.normal(ks[3], (cin, nc, cout), dtype=jnp.float32) * (1.0 / np.sqrt(nc * cin))
    centers = jax.random.uniform(ks[4], (nc, dim), minval=-1.0, maxval=1.0, dtype=jnp.float32)
    return {"weight": weight, "centers": centers, "l1w": l1w, "l1b": l1b,
            "l2w": l2w, "l2b": l2b, "l3w": l3w, "l3b": l3b}


def _bn_params(c):
    return {"gamma": jnp.ones((c,), jnp.float32), "beta": jnp.zeros((c,), jnp.float32)}


def make_params(key):
    specs = [("cv1", IN_CH, PL), ("cv2", PL, PL), ("cv3", PL, PL),
             ("cv4", PL, 2 * PL), ("cv5", 2 * PL, 2 * PL), ("cv6", 2 * PL, 2 * PL),
             ("cv5d", 2 * PL, 2 * PL), ("cv4d", 4 * PL, 2 * PL), ("cv3d", 4 * PL, PL),
             ("cv2d", 2 * PL, PL), ("cv1d", 2 * PL, PL), ("cv0d", 2 * PL, PL)]
    params = {}
    for i, (name, ci, co) in enumerate(specs):
        params[name] = _ptconv_params(jax.random.fold_in(key, i), ci, co)
        params["bn_" + name] = _bn_params(co)
    bound = 1.0 / np.sqrt(PL)
    params["fcout_w"] = jax.random.uniform(jax.random.fold_in(key, 100), (PL, OUT_CH), minval=-bound, maxval=bound, dtype=jnp.float32)
    params["fcout_b"] = jax.random.uniform(jax.random.fold_in(key, 101), (OUT_CH,), minval=-bound, maxval=bound, dtype=jnp.float32)
    return params


def _knn_idx(pts_src, pts_query, K):
    d2 = jnp.sum((pts_query[:, :, None, :] - pts_src[:, None, :, :]) ** 2, axis=-1)
    _, idx = jax.lax.top_k(-d2, K)
    return idx


def _gather(arr, idx):
    return jax.vmap(lambda a, i: a[i])(arr, idx)


def _ptconv(p, x, pts, K, next_pts):
    B, N, Cin = x.shape
    if isinstance(next_pts, int):
        if next_pts == N:
            npts = pts
        else:
            stride = N // next_pts
            npts = pts[:, ::stride][:, :next_pts]
    else:
        npts = next_pts
    M = npts.shape[1]
    idx = _knn_idx(pts, npts, K)
    feats = _gather(x, idx)
    ptsg = _gather(pts, idx)
    rel = ptsg - npts[:, :, None, :]
    maxi = jnp.sqrt(jnp.max(jnp.sum(jax.lax.stop_gradient(rel) ** 2, axis=-1), axis=-1))
    maxi = jnp.where(maxi == 0.0, 1.0, maxi)
    rel = rel / maxi[:, :, None, None]
    dists = (rel[:, :, :, None, :] - p["centers"]).reshape(B, M, K, -1)
    h = jax.nn.relu(dists @ p["l1w"] + p["l1b"])
    h = jax.nn.relu(h @ p["l2w"] + p["l2b"])
    h = jax.nn.relu(h @ p["l3w"] + p["l3b"])
    fs = jnp.einsum('bmkc,bmkn->bmcn', feats, h).reshape(B, M, -1)
    out = fs @ p["weight"].reshape(-1, p["weight"].shape[2])
    out = out / K
    return out, npts


def _bn(bp, x):
    mean = jnp.mean(x, axis=(0, 1))
    var = jnp.var(x, axis=(0, 1))
    return bp["gamma"] * (x - mean) / jnp.sqrt(var + 1e-5) + bp["beta"]


def _forward(params, x, input_pts):
    r = jax.nn.relu
    x1, pts1 = _ptconv(params["cv1"], x, input_pts, 16, 2048)
    x1 = r(_bn(params["bn_cv1"], x1))
    x2, pts2 = _ptconv(params["cv2"], x1, pts1, 16, 1024)
    x2 = r(_bn(params["bn_cv2"], x2))
    x3, pts3 = _ptconv(params["cv3"], x2, pts2, 16, 256)
    x3 = r(_bn(params["bn_cv3"], x3))
    x4, pts4 = _ptconv(params["cv4"], x3, pts3, 8, 64)
    x4 = r(_bn(params["bn_cv4"], x4))
    x5, pts5 = _ptconv(params["cv5"], x4, pts4, 8, 16)
    x5 = r(_bn(params["bn_cv5"], x5))
    x6, pts6 = _ptconv(params["cv6"], x5, pts5, 4, 8)
    x6 = r(_bn(params["bn_cv6"], x6))
    x5d, _ = _ptconv(params["cv5d"], x6, pts6, 4, pts5)
    x5d = r(_bn(params["bn_cv5d"], x5d))
    x5d = jnp.concatenate([x5d, x5], axis=2)
    x4d, _ = _ptconv(params["cv4d"], x5d, pts5, 4, pts4)
    x4d = r(_bn(params["bn_cv4d"], x4d))
    x4d = jnp.concatenate([x4d, x4], axis=2)
    x3d, _ = _ptconv(params["cv3d"], x4d, pts4, 4, pts3)
    x3d = r(_bn(params["bn_cv3d"], x3d))
    x3d = jnp.concatenate([x3d, x3], axis=2)
    x2d, _ = _ptconv(params["cv2d"], x3d, pts3, 8, pts2)
    x2d = r(_bn(params["bn_cv2d"], x2d))
    x2d = jnp.concatenate([x2d, x2], axis=2)
    x1d, _ = _ptconv(params["cv1d"], x2d, pts2, 8, pts1)
    x1d = r(_bn(params["bn_cv1d"], x1d))
    x1d = jnp.concatenate([x1d, x1], axis=2)
    x0d, _ = _ptconv(params["cv0d"], x1d, pts1, 8, input_pts)
    x0d = r(_bn(params["bn_cv0d"], x0d))
    B, M, C = x0d.shape
    xout = x0d.reshape(-1, C) @ params["fcout_w"] + params["fcout_b"]
    return xout.reshape(B, -1, xout.shape[1])


def setup_inputs(seed: int = 0):
    key = jax.random.key(seed)
    kx, kp, kw = jax.random.split(key, 3)
    x = jax.random.normal(kx, (2, 8192, IN_CH), dtype=jnp.float32)
    input_pts = jax.random.uniform(kp, (2, 8192, DIM), dtype=jnp.float32)
    params = make_params(kw)
    return {"x": x, "input_pts": input_pts, "params": params}


def reference(x, input_pts, params):
    return _forward(params, x, input_pts)

if __name__ == "__main__":
    import jax
    _d = setup_inputs()
    print(jax.jit(kernel)(*tuple(_d.values())))

</pallas_src>

<mosaic_0001>
module attributes {stable_mosaic.version = 14 : i64} {
  func.func @_fc_kernel(%arg0: memref<16384x48xf32, #tpu.memory_space<vmem>>, %arg1: memref<48x13xf32, #tpu.memory_space<vmem>>, %arg2: memref<1x13xf32, #tpu.memory_space<vmem>>, %arg3: memref<16384x13xf32, #tpu.memory_space<vmem>>) attributes {dimension_semantics = [], scalar_prefetch = 0 : i64, scratch_operands = 0 : i64, tpu.core_type = #tpu.core_type<tc>} {
    %get3A = arith.constant 0 : index
    %get3A_0 = arith.constant 0 : index
    %get3A_1 = vector.load %arg0[%get3A, %get3A_0] : memref<16384x48xf32, #tpu.memory_space<vmem>>, vector<16384x48xf32>
    %get3A_2 = arith.constant 0 : index
    %get3A_3 = arith.constant 0 : index
    %get3A_4 = vector.load %arg1[%get3A_2, %get3A_3] : memref<48x13xf32, #tpu.memory_space<vmem>>, vector<48x13xf32>
    %dot_general3A = arith.constant dense<0.000000e+00> : vector<16384x13xf32>
    %dot_general3A_5 = tpu.matmul %get3A_1, %get3A_4, %dot_general3A {dimension_numbers = #tpu.dot_dimension_numbers<[1], [0], [0], [1], [0, 0, 1, 1], [], []>, transpose_lhs_hint = false} : vector<16384x48xf32>, vector<48x13xf32>, vector<16384x13xf32> -> vector<16384x13xf32>
    %get3A_6 = arith.constant 0 : index
    %get3A_7 = arith.constant 0 : index
    %get3A_8 = vector.load %arg2[%get3A_6, %get3A_7] : memref<1x13xf32, #tpu.memory_space<vmem>>, vector<1x13xf32>
    %add3A = vector.broadcast %get3A_8 : vector<1x13xf32> to vector<16384x13xf32>
    %add3A_9 = arith.addf %dot_general3A_5, %add3A : vector<16384x13xf32>
    %swap3A = arith.constant 0 : index
    %swap3A_10 = arith.constant 0 : index
    %swap3A_11 = vector.load %arg3[%swap3A, %swap3A_10] : memref<16384x13xf32, #tpu.memory_space<vmem>>, vector<16384x13xf32>
    tpu.vector_store %arg3[%swap3A, %swap3A_10], %add3A_9 {strides = array<i32>} : memref<16384x13xf32, #tpu.memory_space<vmem>>, vector<16384x13xf32>,
    return
  }
}

</mosaic_0001>

<sc_bundles>
// kernel: sparse-core-data-format-call.1.cloned.1.call-start
scs
called_computation.1_lowered:
.L_overlay_start_0:
0x0: {  	s1 =	sld [smem:$0x3FD9]  }
0x1: {  	s2 =	sld [smem:$0x3FFE];
	_ =	sdelay $0x1  }
0x2: {  	s3 =	srdreg.scid  }
0x3: {  	s0 =	sand.u32 $0x1, s3  }
0x4: {  	s17 =	sshll.u32 s0, $0xA;
	s1 =	sadd.s32 s2, s1  }
0x5: {  	s1 =	sadd.s32 s1, s17  }
0x6: {  	[smem:$0x3F4C] =	sst s1  }
0x7: {  	_ = 	snop  }
0x8: {  	(tm) =	ssettm $0x1  }
0x9: {  	s18 =	sld [smem:$0x3FFB];
	_ =	sdelay $0x3  }
0xa: {  	_ =	strace s18  }
0xb: {  	s1 =	sld [smem:$0x3FFC];
	_ =	sdelay $0x3  }
0xc: {  	_ =	strace s1  }
0xd: {  	s1 =	sld [smem:$0x3FFD];
	_ =	sdelay $0x3  }
0xe: {  	_ =	strace s1  }
0xf: {  	_ =	strace $0x8FFFFFFF  }
0x10: {  	s19 =	sld [smem:$0x3FDB];
	_ =	sdelay $0x1  }
0x11: {  	s20 =	simm.s32 $_scs_section_size  }
0x12: {  	s4 =	simm.s32 $_size__tile_overlayer_lowered;
	s5 =	simm.s32 $_tile_overlayer_lowered  }
0x13: {  	s23 =	simm.s32 $0x1BFF;
	s22 =	sshll.u32 s5, $0x1;
	s1 =	sadd.s32 s20, s19  }
0x14: {  	s6 =	simm.s32 $0x0;
	s21 =	sshll.u32 s4, $0x1;
	s4 =	sadd.s32 s22, s1  }
0x15: {  	[timem:s6], [sflag:s23] =	dma.local [hbm:s4], s21  }
0x16: {  	_ =	swait.ge [sflag:s23], s21  }
0x17: {  	s2 =	ssub.s32 $0x0, s21;
	[sflag:s23] =	ssyncset.done $0x0  }
0x18: {  	[sflag:s23] =	ssyncadd.s32 s2;
	_ =	sdelay $0x1  }
0x19: {  	s24 =	simm.s32 $0x1B8B  }
0x1a: {  	_ =	swait.ge [sflag:s24], $0x1  }
0x1b: {  	[sflag:s24] =	ssyncset.done $0x0  }
0x1c: {  	s26 =	simm.s32 $0x1B8E;
	s25 =	sld [smem:$0x3FFE];
	[sflag:s24] =	ssyncadd.s32 $0xFFFFFFFF  }
0x1d: {  	s27 =	simm.s32 $execute0_lowered;
	[smem:$0x3FD2] =	sst s26  }
0x1e: {  	s4 =	sshll.u32 s27, $0x1;
	_ =	strace $0x80000046;
	[dreg:$0x1] =	wrdreg $0xFFFFFFFF  }
0x1f: {  	s28 =	simm.s32 $_size_execute0_lowered;
	s1 =	sadd.s32 s1, s4;
	[dreg:$0x0] =	wrdreg $0x0  }
0x20: {  	s4 =	sshll.u32 s28, $0x1;
	[dreg:$0x2] =	wrdreg s1  }
0x21: {  	[dreg:$0x3] =	wrdreg s4  }
0x22: {  	[dreg:$0x4] =	wrdreg $0xC0  }
0x23: {  	_ =	task [dreg:s6], $0x5FFFF  }
0x24: {  	[dreg:$0x1] =	wrdreg $0xFFFFFFFF  }
0x25: {  	[dreg:$0x0] =	wrdreg $0x60  }
0x26: {  	[dreg:$0x2] =	wrdreg s25  }
0x27: {  	[dreg:$0x3] =	wrdreg $0xA  }
0x28: {  	_ =	task.clear_ibuf [dreg:s6], $0x4FFFF;
	_ =	strace $0x90000046  }
0x29: {  	s29 =	simm.s32 $0xA;
	_ =	strace $0x80000048  }
0x2a: {  	_ =	swait.ge [sflag:s29], $0x1  }
0x2b: {  	[sflag:s29] =	ssyncadd.s32 $0xFFFFFFFF  }
0x2c: {  	_ =	strace $0x90000048  }
0x2d: {  	_ =	sfence  }
0x2e: {  	s30 =	sld [smem:$0x0];
	_ =	sdelay $0x2  }
0x2f: {  	s31 =	sshll.u32 s3, $0xD;
	s3 =	sshrl.u32 s3, $0x2  }
0x30: {  	s2 =	sand.u32 $0x4000, s31;
	s1 =	sadd.s32 s3, s30  }
0x31: {  	s0 =	sor.u32 s2, s0;
	s1 =	sshll.u32 s1, $0x11  }
0x32: {  	s0 =	sor.u32 s1, s0  }
0x33: {  	s0 =	sadd.s32 $0x8F2B, s0  }
0x34: {  	[sflag:s0] =	ssyncadd.remote.s32 $0x1  }
0x35: {  	_ =	sfence.sel $0xFFFF  }
0x36: {  	[dreg:$0x0] =	wrdreg $0xFFFFFFFF;
	(pc) =	sbr.abs _section_cstart, $3  }
0x37: {  	[dreg:$0x1] =	wrdreg $0xFFFFFFFF  }
0x38: {  	_ =	task.clear_ibuf [dreg:s6], $0x2FFFF;
	_ =	strace $0x9FFFFFFF  }
0x39: {  	(tm) =	ssettm $0x7FFFFFFF  }
tec
execute0_lowered:
.L_overlay_start_1:
0x0: {  	(tag) =	ssettag $0x1  }
0x1: {  	s0 =	stileid.u32  }
0x2: {  	s1 =	srdreg.scid;
	s5 =	rddreg [dreg:$0x0];
	s31 =	simm.s32 $0x2  }
0x3: {  	s16 =	simm.s32 $0x0;
	s2 =	sshll.u32 s0, $0x6;
	s1 =	sshll.u32 s1, $0xA  }
0x4: {  	s9 =	simm.s32 $0x4000;
	s14 =	simm.s32 $0x0;
	s1 =	sor.u32 s2, s1  }
0x5: {  	s15 =	simm.s32 $0x0;
	s10 =	simm.s32 $0x0;
	s1 =	sand.u32 $0x780, s1  }
0x6: {  	s13 =	simm.s32 $0x0;
	s2 =	sand.u32 $0x1, s0;
	s3 =	ssub.s32 $0x800, s1  }
0x7: {  	s4 =	ssub.s32 $0x2, s2;
	s12 =	smov.u32 s2;
	s6 =	sand.u32 $0x780, s3  }
0x8: {  	s7 =	sshrl.u32 s4, $0x1;
	p0 =	sne.s32 s6, $0x0;
	s6 =	simm.s32 $0x1  }
0x9: {  	s4 =	sand.u32 $0x1, s4;
	s8 =	sshrl.u32 s3, $0xB;
	s6 =	simm.s32 @!p0 $0x0  }
.Ltmp0:
0xa: {  	s4 =	sadd.s32 s4, s7;
	s6 =	sadd.s32 s6, s8;
	(pc) =	sbr.rel .LBB1_1-.Ltmp0, $4  }
0xb: {  	s11 =	smov.u32 s1;
	s3 =	rddreg [dreg:$0x1];
	s7 =	smul.u32 s6, s4  }
0xc: {  	_ =	strace $0x80000047;
	p0 =	por $0x0, $0x0;
	s6 =	simm.s32 $0x1  }
0xd: {  	s4 =	sadd.s32 $0x50800, s5;
	[sflag:s6] =	ssyncpa.u1 $0x0;
	s7 =	sshll.u32 s7, $0x6  }
0xe: {  	s5 =	sadd.s32 $0x450800, s5;
	[sflag:s31] =	ssyncpa.u1 $0x0;
	s8 =	sor.u32 $0x1, s7  }
.LBB1_4:
0xf: {  	v5 =	vld [tilespmem:s19+$0xFFFFFFD0]  }
0x10: {  	[tilespmem:s20+$0x2040 ss:$0x81] =	vst.msk $0xffff, v1;
	v58 =	vld [tilespmem:s19+$0xFFFFFFE0]  }
0x11: {  	[tilespmem:s20+$0x2850 ss:$0x81] =	vst.msk $0xffff, v2;
	v59 =	vld [tilespmem:s19+$0xFFFFFFF0]  }
0x12: {  	s21 =	sshra.s32 s21, $0x2;
	[tilespmem:s20+$0x3060 ss:$0x81] =	vst.msk $0xffff, v3;
	v60 =	vld [tilespmem:s19+$0x0]  }
0x13: {  	[tilespmem:s20+$0x0 ss:$0x81] =	vst.msk $0xffff, v0;
	v61 =	vld [tilespmem:s19+$0x10];
	s18 =	sadd.s32 s21, s18  }
0x14: {  	s26 =	sshll.u32 s16, $0xB;
	v62 =	vld [tilespmem:s19+$0x20];
	[tilespmem:s18+$0x3870 ss:$0x81] =	vst.msk $0xffff, v4  }
0x15: {  	s27 =	sand.u32 $0x78, s14;
	s22 =	sshll.u32 s14, $0x3;
	v63 =	vld [tilespmem:s19+$0xFFFFFFC0];
	s29 =	sshll.u32 s16, $0x7;
	[tilespmem:s18+$0x810 ss:$0x81] =	vst.msk $0xffff, v5  }
0x16: {  	s15 =	sshll.u32 s15, $0x15;
	s20 =	sand.u32 $0xFFC000, s26;
	s28 =	sand.u32 $0xFFFC00, s22;
	[tilespmem:s18+$0x1020 ss:$0x81] =	vst.msk $0xffff, v58  }
0x17: {  	s31 =	sand.u32 $0x7, s14;
	s22 =	sand.u32 $0x400, s22;
	s19 =	sadd.s32 s28, s20;
	[tilespmem:s18+$0x1830 ss:$0x81] =	vst.msk $0xffff, v59  }
0x18: {  	s16 =	sand.u32 $0x380, s29;
	s30 =	sor.u32 s27, s22;
	s19 =	sshrl.u32 s19, $0x3;
	[tilespmem:s18+$0x2040 ss:$0x81] =	vst.msk $0xffff, v60  }
0x19: {  	s15 =	sadd.s32 s5, s15;
	s16 =	sor.u32 s16, s30;
	s19 =	sand.u32 $0x1FFF00, s19;
	[tilespmem:s18+$0x2850 ss:$0x81] =	vst.msk $0xffff, v61  }
0x1a: {  	s14 =	sshll.u32 s31, $0x12;
	s16 =	sshrl.u32 s16, $0x3;
	[tilespmem:s18+$0x3060 ss:$0x81] =	vst.msk $0xffff, v62;
	s15 =	sadd.s32 s19, s15  }
0x1b: {  	s14 =	sor.u32 $0x400, s14;
	[tilespmem:s18+$0x0 ss:$0x81] =	vst.msk $0xffff, v63;
	s15 =	sadd.s32 s16, s15  }
0x1c: {  	[hbm4b:s15+s14] =	stream.strided.scatter [tilespmem:s17], [sflag:$0x2], $0x4000, s9, s14, $0x20;
	[tilespmem:$0x10100] =	vst v63  }
.LBB1_5:
0x1d: {  	s17 =	sadd.s32 $0x80, s10  }
0x1e: {  	s14 =	sadd.s32 $0x800, s11;
	s18 =	smov.u32 s11;
	p2 =	sgt.s32 s17, $0x1FFF  }
0x1f: {  	s18 =	smov.u32 @p2 s14  }
0x20: {  	s20 =	smov.u32 s12;
	s14 =	sadd.s32 $0x2, s12;
	p3 =	sgt.s32 s18, $0x7FF  }
0x21: {  	s20 =	smov.u32 @p3 s14  }
0x22: {  	s17 =	simm.s32 @p2 $0x0;
	p2 =	sgt.s32 s20, $0x1  }
0x23: {  	p1 =	slt.u32 s13, $0x2;
	s20 =	smov.u32 @p2 s2;
	p2 =	sne.s32 s13, s8  }
.Ltmp1:
0x24: {  	s19 =	simm.s32 @!p1 $0x2;
	(pc) =	sbr.rel @!p2 .LBB1_6-.Ltmp1, $4  }
0x25: {  	s16 =	smov.u32 s10;
	s15 =	smov.u32 s12;
	_ =	swait.ge @!p1 [sflag:s19], $0x4000  }
0x26: {  	p0 =	por !p0, !p0;
	[sflag:s19] =	ssyncset.done @!p1 $0x0;
	s10 =	smov.u32 s17  }
0x27: {  	s18 =	smov.u32 @p3 s1;
	s14 =	smov.u32 s11;
	[sflag:s19] =	ssyncadd.s32 @!p1 $0xFFFFC000  }
0x28: {  	s11 =	smov.u32 s18;
	s13 =	sadd.s32 $0x1, s13;
	s12 =	smov.u32 s20  }
.LBB1_1:
0x29: {  	p1 =	sge.u32 s13, s7;
	s31 =	sadd.s32 $0xFFFFFFFF, s13  }
0x2a: {  	s17 =	sxor.u32 @!p1 $0xFFFFFFFF, s13;
	s18 =	sand.u32 @!p1 $0x78, s10;
	s19 =	sshll.u32 @!p1 s11, $0xD  }
0x2b: {  	s20 =	sshll.u32 @!p1 s11, $0x7;
	s21 =	sshll.u32 @!p1 s10, $0x3;
	s17 =	sshll.u32 @!p1 s17, $0xE  }
0x2c: {  	s19 =	sand.u32 @!p1 $0xFF0000, s19;
	s20 =	sand.u32 @!p1 $0x380, s20;
	s17 =	sand.u32 @!p1 $0x4000, s17  }
0x2d: {  	s19 =	sadd.s32 @!p1 s19, s21;
	s21 =	sand.u32 @!p1 $0x1C00, s21;
	s18 =	sor.u32 @!p1 s20, s18  }
0x2e: {  	s20 =	sshll.u32 @!p1 s12, $0x15;
	s18 =	sor.u32 @!p1 s21, s18;
	s19 =	sshrl.u32 @!p1 s19, $0x3  }
0x2f: {  	s20 =	sadd.s32 @!p1 s4, s20;
	s21 =	sand.u32 @!p1 $0x7, s10;
	s19 =	sand.u32 @!p1 $0x1FFC00, s19  }
0x30: {  	s18 =	sshrl.u32 @!p1 s18, $0x3;
	s19 =	sadd.s32 @!p1 s19, s20;
	s20 =	sshll.u32 @!p1 s21, $0x12  }
0x31: {  	s18 =	sadd.s32 @!p1 s18, s19;
	s19 =	sor.u32 @!p1 $0x400, s20;
	s20 =	simm.s32 @!p1 $0x10000  }
0x32: {  	[tilespmem:s17], [sflag:$0x1] =	stream.strided.gather @!p1 [hbm4b:s18+s19], $0x4000, s20, s19, $0x38;
	[tilespmem:$0x10100] =	vst v63  }
0x33: {  	p1 =	sge.u32 s31, s7  }
.Ltmp2:
0x34: {  	_ = 	snop;
	(pc) =	sbr.rel @p1 .LBB1_5-.Ltmp2, $1  }
0x35: {  	_ =	sdelay $0x3  }
0x36: {  	s17 =	simm.s32 $0x1  }
0x37: {  	_ =	swait.ge [sflag:s6], $0x4000;
	s17 =	simm.s32 @!p0 $0x0  }
0x38: {  	[sflag:s6] =	ssyncset.done $0x0;
	s18 =	sshll.u32 s17, $0xE  }
0x39: {  	[sflag:s6] =	ssyncadd.s32 $0xFFFFC000;
	s19 =	sor.u32 $0x40, s18  }
0x3a: {  	s17 =	smul.u32 $0x10200, s17;
	v0 =	vld [tilespmem:s19+$0x30]  }
0x3b: {  	v3 =	vld [tilespmem:s19+$0xFFFFFFD0]  }
0x3c: {  	s17 =	sshrl.u32 s17, $0x2;
	v4 =	vld [tilespmem:s19+$0xFFFFFFE0]  }
0x3d: {  	v5 =	vld [tilespmem:s19+$0xFFFFFFF0];
	s18 =	sor.u32 $0x8000, s17  }
0x3e: {  	s31 =	sand.u32 $0x1, s13;
	v1 =	vld [tilespmem:s19+$0x0];
	s20 =	sadd.s32 $0x0, s18  }
0x3f: {  	v2 =	vld [tilespmem:s19+$0x10];
	s17 =	smul.u32 $0x10200, s31;
	[tilespmem:s20+$0x3870 ss:$0x81] =	vst.msk $0xffff, v0  }
0x40: {  	[tilespmem:s20+$0x810 ss:$0x81] =	vst.msk $0xffff, v3;
	v3 =	vld [tilespmem:s19+$0x20]  }
0x41: {  	s17 =	sshrl.u32 s17, $0x2;
	v0 =	vld [tilespmem:s19+$0xFFFFFFC0];
	[tilespmem:s20+$0x1020 ss:$0x81] =	vst.msk $0xffff, v4;
	s19 =	sadd.s32 $0x80, s19  }
0x42: {  	s21 =	simm.s32 $0x4;
	s22 =	simm.s32 $0x8;
	s17 =	sor.u32 $0x8000, s17;
	[tilespmem:s20+$0x1830 ss:$0x81] =	vst.msk $0xffff, v5;
	v4 =	vld [tilespmem:s19+$0x30]  }
.LBB1_3:
0x43: {  	p1 =	sne.s32 s22, $0x1FC;
	v5 =	vld [tilespmem:s19+$0xFFFFFFD0];
	[tilespmem:s20+$0x2040 ss:$0x81] =	vst.msk $0xffff, v1  }
0x44: {  	v6 =	vld [tilespmem:s19+$0xFFFFFFE0];
	[tilespmem:s20+$0x2850 ss:$0x81] =	vst.msk $0xffff, v2  }
0x45: {  	s23 =	sshra.s32 s21, $0x2;
	s21 =	smov.u32 s22;
	v7 =	vld [tilespmem:s19+$0xFFFFFFF0];
	[tilespmem:s20+$0x3060 ss:$0x81] =	vst.msk $0xffff, v3  }
.Ltmp3:
0x46: {  	v1 =	vld [tilespmem:s19+$0x0];
	[tilespmem:s20+$0x0 ss:$0x81] =	vst.msk $0xffff, v0;
	s20 =	sadd.s32 s23, s18;
	(pc) =	sbr.rel @p1 .LBB1_3-.Ltmp3, $4  }
0x47: {  	v2 =	vld [tilespmem:s19+$0x10];
	[tilespmem:s20+$0x3870 ss:$0x81] =	vst.msk $0xffff, v4  }
0x48: {  	[tilespmem:s20+$0x810 ss:$0x81] =	vst.msk $0xffff, v5;
	v3 =	vld [tilespmem:s19+$0x20]  }
0x49: {  	v0 =	vld [tilespmem:s19+$0xFFFFFFC0];
	[tilespmem:s20+$0x1020 ss:$0x81] =	vst.msk $0xffff, v6;
	s19 =	sadd.s32 $0x80, s19  }
0x4a: {  	s22 =	sadd.s32 $0x4, s22;
	v4 =	vld [tilespmem:s19+$0x30];
	[tilespmem:s20+$0x1830 ss:$0x81] =	vst.msk $0xffff, v7  }
.Ltmp4:
0x4b: {  	_ = 	snop;
	(pc) =	sbr.rel .LBB1_4-.Ltmp4, $1  }
0x4c: {  	_ =	sdelay $0x3  }
.LBB1_6:
0x4d: {  	_ =	sfence.sel $0x180000  }
0x4e: {  	s1 =	simm.s32 $0x1;
	[bflag:$0x0] =	sbarrier.arrive $0xFFFF  }
0x4f: {  	s31 =	simm.s32 $0x2;
	[sflag:s1] =	ssyncpa.u1 $0x1  }
0x50: {  	[sflag:s31] =	ssyncpa.u1 $0x1  }
0x51: {  	p0 =	sne.s32 s0, $0x0;
	_ =	strace $0x90000047  }
0x52: {  	s0 =	sadd.s32 @!p0 $0x100000, s3;
	[bflag:$0x2] =	sbarrier.arrive $0xFFFF  }
0x53: {  	[sflag:s0] =	ssyncadd.tile.s32 @!p0 $0x1;
	_ =	shalt  }
.Lfunc_end1:
_tile_overlayer_lowered:
.L_overlay_start_2:
0x54: {  	(tag) =	ssettag $0x2  }
0x55: {  	s0 =	rddreg [dreg:$0x0];
	s2 =	stileid.u32  }
0x56: {  	s1 =	rddreg [dreg:$0x1];
	p0 =	sne.s32 s2, $0x0  }
0x57: {  	s3 =	rddreg [dreg:$0x2];
	[bflag:$0x3] =	sbarrier.arrive $0xFFFF;
	s2 =	simm.s32 @!p0 $0x1C01  }
0x58: {  	[timem:s3], [sflag:s2] =	dma.local @!p0 [hbm:s0], s1  }
0x59: {  	s0 =	simm.s32 @!p0 $0x1  }
0x5a: {  	_ =	swait.ge @!p0 [sflag:s0], s1  }
0x5b: {  	s1 =	ssub.s32 @!p0 $0x0, s1;
	[sflag:s0] =	ssyncset.done @!p0 $0x0  }
0x5c: {  	[sflag:s0] =	ssyncadd.s32 @!p0 s1  }
0x5d: {  	[bflag:$0x3] =	sbarrier.arrive $0xFFFF  }
0x5e: {  	_ =	shalt  }

// kernel: sparse-core-data-format-call.cloned.1.call-start
scs
called_computation_lowered:
.L_overlay_start_0:
0x0: {  	s2 =	sld [smem:$0x3FD9]  }
0x1: {  	s3 =	sld [smem:$0x3FFE];
	_ =	sdelay $0x1  }
0x2: {  	s1 =	srdreg.scid  }
0x3: {  	s0 =	sand.u32 $0x1, s1  }
0x4: {  	s18 =	sshll.u32 s0, $0xA;
	s2 =	sadd.s32 s3, s2  }
0x5: {  	s2 =	sadd.s32 s2, s18  }
0x6: {  	[smem:$0x3F4C] =	sst s2  }
0x7: {  	_ = 	snop  }
0x8: {  	(tm) =	ssettm $0x1  }
0x9: {  	s19 =	sld [smem:$0x3FFB];
	_ =	sdelay $0x3  }
0xa: {  	_ =	strace s19  }
0xb: {  	s2 =	sld [smem:$0x3FFC];
	_ =	sdelay $0x3  }
0xc: {  	_ =	strace s2  }
0xd: {  	s2 =	sld [smem:$0x3FFD];
	_ =	sdelay $0x3  }
0xe: {  	_ =	strace s2  }
0xf: {  	_ =	strace $0x8FFFFFFF  }
0x10: {  	s20 =	sld [smem:$0x3FDB];
	_ =	sdelay $0x1  }
0x11: {  	s21 =	simm.s32 $_scs_section_size  }
0x12: {  	s4 =	simm.s32 $_size__tile_overlayer_lowered;
	s5 =	simm.s32 $_tile_overlayer_lowered  }
0x13: {  	s6 =	simm.s32 $0x1BFF;
	s22 =	sshll.u32 s5, $0x1;
	s3 =	sadd.s32 s21, s20  }
0x14: {  	s23 =	simm.s32 $0x0;
	s4 =	sshll.u32 s4, $0x1;
	s5 =	sadd.s32 s22, s3  }
0x15: {  	[timem:s23], [sflag:s6] =	dma.local [hbm:s5], s4  }
0x16: {  	_ =	swait.ge [sflag:s6], s4  }
0x17: {  	s4 =	ssub.s32 $0x0, s4;
	[sflag:s6] =	ssyncset.done $0x0  }
0x18: {  	[sflag:s6] =	ssyncadd.s32 s4;
	_ =	sdelay $0x1  }
0x19: {  	s24 =	simm.s32 $0x1B8B  }
0x1a: {  	_ =	swait.ge [sflag:s24], $0x1  }
0x1b: {  	[sflag:s24] =	ssyncset.done $0x0  }
0x1c: {  	[sflag:s24] =	ssyncadd.s32 $0xFFFFFFFF  }
0x1d: {  	s4 =	sld [smem:$0x0]  }
0x1e: {  	s5 =	sand.u32 $0xFFFFFFFE, s1  }
0x1f: {  	p0 =	sne.s32 s1, s5  }
0x20: {  	s5 =	sshll.u32 @p0 s5, $0xE  }
0x21: {  	s5 =	sadd.s32 @p0 $0x11B8D, s5;
	s6 =	sshll.u32 @p0 s4, $0x11  }
0x22: {  	s5 =	sor.u32 @p0 s6, s5  }
0x23: {  	[sflag:s5] =	ssyncadd.remote.s32 @p0 $0x1;
	_ =	sdelay $0x1  }
0x24: {  	s5 =	simm.s32 @p0 $0x1B8D  }
0x25: {  	_ =	swait.eq @p0 [sflag:s5], $0x1  }
0x26: {  	[sflag:s5] =	ssyncadd.s32 @p0 $0xFFFFFFFF  }
0x27: {  	s6 =	sshll.u32 @!p0 s1, $0xE  }
0x28: {  	s6 =	sor.u32 @!p0 $0x4000, s6;
	s5 =	simm.s32 @!p0 $0x1B8D  }
0x29: {  	s4 =	sshll.u32 @!p0 s4, $0x11;
	s6 =	sadd.s32 @!p0 $0x11B8D, s6;
	_ =	swait.eq @!p0 [sflag:s5], $0x1  }
0x2a: {  	s4 =	sor.u32 @!p0 s4, s6;
	[sflag:s5] =	ssyncadd.s32 @!p0 $0xFFFFFFFF  }
0x2b: {  	s26 =	simm.s32 $0x1B8E;
	s25 =	sld [smem:$0x3FFE];
	[sflag:s4] =	ssyncadd.remote.s32 @!p0 $0x1  }
0x2c: {  	s27 =	simm.s32 $execute0_lowered;
	[smem:$0x3FD2] =	sst s26  }
0x2d: {  	s5 =	sshll.u32 s27, $0x1;
	_ =	strace $0x80000049;
	[dreg:$0x1] =	wrdreg $0xFFFFFFFF  }
0x2e: {  	s28 =	simm.s32 $_size_execute0_lowered;
	s3 =	sadd.s32 s3, s5;
	[dreg:$0x0] =	wrdreg $0x0  }
0x2f: {  	s5 =	sshll.u32 s28, $0x1;
	[dreg:$0x2] =	wrdreg s3  }
0x30: {  	[dreg:$0x3] =	wrdreg s5  }
0x31: {  	[dreg:$0x4] =	wrdreg $0xC0  }
0x32: {  	_ =	task [dreg:s23], $0x5FFFF  }
0x33: {  	[dreg:$0x1] =	wrdreg $0xFFFFFFFF  }
0x34: {  	[dreg:$0x0] =	wrdreg $0x60  }
0x35: {  	[dreg:$0x2] =	wrdreg s25  }
0x36: {  	[dreg:$0x3] =	wrdreg $0x9  }
0x37: {  	_ =	task.clear_ibuf [dreg:s23], $0x4FFFF;
	_ =	strace $0x90000049  }
0x38: {  	s29 =	simm.s32 $0x9;
	_ =	strace $0x8000004B  }
0x39: {  	_ =	swait.ge [sflag:s29], $0x1  }
0x3a: {  	[sflag:s29] =	ssyncadd.s32 $0xFFFFFFFF  }
0x3b: {  	_ =	strace $0x9000004B  }
0x3c: {  	_ =	sfence  }
0x3d: {  	s30 =	sld [smem:$0x0];
	_ =	sdelay $0x2  }
0x3e: {  	s31 =	sshll.u32 s1, $0xD;
	s1 =	sshrl.u32 s1, $0x2  }
0x3f: {  	s4 =	sand.u32 $0x4000, s31;
	s1 =	sadd.s32 s1, s30  }
0x40: {  	s0 =	sor.u32 s4, s0;
	s1 =	sshll.u32 s1, $0x11  }
0x41: {  	s0 =	sor.u32 s1, s0  }
0x42: {  	s0 =	sadd.s32 $0x8F2B, s0  }
0x43: {  	[sflag:s0] =	ssyncadd.remote.s32 $0x1  }
0x44: {  	_ =	sfence.sel $0xFFFF  }
0x45: {  	[dreg:$0x0] =	wrdreg $0xFFFFFFFF;
	(pc) =	sbr.abs _section_cstart, $3  }
0x46: {  	[dreg:$0x1] =	wrdreg $0xFFFFFFFF  }
0x47: {  	_ =	task.clear_ibuf [dreg:s23], $0x2FFFF;
	_ =	strace $0x9FFFFFFF  }
0x48: {  	(tm) =	ssettm $0x7FFFFFFF  }
0x49: {  	_ =	shalt  }
tec
execute0_lowered:
.L_overlay_start_1:
0x0: {  	(tag) =	ssettag $0x1  }
0x1: {  	s0 =	stileid.u32  }
0x2: {  	s1 =	srdreg.scid;
	s5 =	rddreg [dreg:$0x0];
	s31 =	simm.s32 $0x2  }
0x3: {  	s16 =	simm.s32 $0x0;
	s2 =	sshll.u32 s0, $0x6;
	s1 =	sshll.u32 s1, $0xA  }
0x4: {  	s9 =	simm.s32 $0x10000;
	s14 =	simm.s32 $0x0;
	s1 =	sor.u32 s2, s1  }
0x5: {  	s15 =	simm.s32 $0x0;
	s10 =	simm.s32 $0x0;
	s1 =	sand.u32 $0x780, s1  }
0x6: {  	s13 =	simm.s32 $0x0;
	s2 =	sand.u32 $0x1, s0;
	s3 =	ssub.s32 $0x2000, s1  }
0x7: {  	s4 =	ssub.s32 $0x2, s2;
	s12 =	smov.u32 s2;
	s6 =	sand.u32 $0x780, s3  }
0x8: {  	s7 =	sshrl.u32 s4, $0x1;
	p0 =	sne.s32 s6, $0x0;
	s6 =	simm.s32 $0x1  }
0x9: {  	s4 =	sand.u32 $0x1, s4;
	s8 =	sshrl.u32 s3, $0xB;
	s6 =	simm.s32 @!p0 $0x0  }
.Ltmp0:
0xa: {  	s4 =	sadd.s32 s4, s7;
	s6 =	sadd.s32 s6, s8;
	(pc) =	sbr.rel .LBB1_1-.Ltmp0, $4  }
0xb: {  	s11 =	smov.u32 s1;
	s3 =	rddreg [dreg:$0x1];
	s7 =	smul.u32 s6, s4  }
0xc: {  	_ =	strace $0x8000004A;
	p0 =	por $0x0, $0x0;
	s6 =	simm.s32 $0x1  }
0xd: {  	s4 =	sadd.s32 $0x850800, s5;
	[sflag:s6] =	ssyncpa.u1 $0x0;
	s7 =	sshll.u32 s7, $0x4  }
0xe: {  	s5 =	sadd.s32 $0xC50800, s5;
	[sflag:s31] =	ssyncpa.u1 $0x0;
	s8 =	sor.u32 $0x1, s7  }
.LBB1_4:
0xf: {  	v5 =	vld [tilespmem:s19+$0xFFFFFFD0]  }
0x10: {  	[tilespmem:s20+$0x2040 ss:$0x81] =	vst.msk $0xffff, v1;
	v58 =	vld [tilespmem:s19+$0xFFFFFFE0]  }
0x11: {  	[tilespmem:s20+$0x2850 ss:$0x81] =	vst.msk $0xffff, v2;
	v59 =	vld [tilespmem:s19+$0xFFFFFFF0]  }
0x12: {  	s21 =	sshra.s32 s21, $0x2;
	[tilespmem:s20+$0x3060 ss:$0x81] =	vst.msk $0xffff, v3;
	v60 =	vld [tilespmem:s19+$0x0]  }
0x13: {  	[tilespmem:s20+$0x0 ss:$0x81] =	vst.msk $0xffff, v0;
	v61 =	vld [tilespmem:s19+$0x10];
	s18 =	sadd.s32 s21, s18  }
0x14: {  	s26 =	sshll.u32 s16, $0xD;
	v62 =	vld [tilespmem:s19+$0x20];
	[tilespmem:s18+$0x3870 ss:$0x81] =	vst.msk $0xffff, v4  }
0x15: {  	s27 =	sand.u32 $0x78, s14;
	s22 =	sshll.u32 s14, $0x3;
	v63 =	vld [tilespmem:s19+$0xFFFFFFC0];
	s29 =	sshll.u32 s16, $0x7;
	[tilespmem:s18+$0x810 ss:$0x81] =	vst.msk $0xffff, v5  }
0x16: {  	s15 =	sshll.u32 s15, $0x15;
	s20 =	sand.u32 $0xFF0000, s26;
	s28 =	sand.u32 $0xFFFC00, s22;
	[tilespmem:s18+$0x1020 ss:$0x81] =	vst.msk $0xffff, v58  }
0x17: {  	s31 =	sand.u32 $0x7, s14;
	s22 =	sand.u32 $0x1C00, s22;
	s19 =	sadd.s32 s28, s20;
	[tilespmem:s18+$0x1830 ss:$0x81] =	vst.msk $0xffff, v59  }
0x18: {  	s16 =	sand.u32 $0x380, s29;
	s30 =	sor.u32 s27, s22;
	s19 =	sshrl.u32 s19, $0x3;
	[tilespmem:s18+$0x2040 ss:$0x81] =	vst.msk $0xffff, v60  }
0x19: {  	s15 =	sadd.s32 s5, s15;
	s16 =	sor.u32 s16, s30;
	s19 =	sand.u32 $0x1FFC00, s19;
	[tilespmem:s18+$0x2850 ss:$0x81] =	vst.msk $0xffff, v61  }
0x1a: {  	s14 =	sshll.u32 s31, $0x12;
	s16 =	sshrl.u32 s16, $0x3;
	[tilespmem:s18+$0x3060 ss:$0x81] =	vst.msk $0xffff, v62;
	s15 =	sadd.s32 s19, s15  }
0x1b: {  	s14 =	sor.u32 $0x400, s14;
	[tilespmem:s18+$0x0 ss:$0x81] =	vst.msk $0xffff, v63;
	s15 =	sadd.s32 s16, s15  }
0x1c: {  	[hbm4b:s15+s14] =	stream.strided.scatter [tilespmem:s17], [sflag:$0x2], $0x4000, s9, s14, $0x20;
	[tilespmem:$0x10100] =	vst v63  }
.LBB1_5:
0x1d: {  	s17 =	sadd.s32 $0x80, s10  }
0x1e: {  	s14 =	sadd.s32 $0x800, s11;
	s18 =	smov.u32 s11;
	p2 =	sgt.s32 s17, $0x7FF  }
0x1f: {  	s18 =	smov.u32 @p2 s14  }
0x20: {  	s20 =	smov.u32 s12;
	s14 =	sadd.s32 $0x2, s12;
	p3 =	sgt.s32 s18, $0x1FFF  }
0x21: {  	s20 =	smov.u32 @p3 s14  }
0x22: {  	s17 =	simm.s32 @p2 $0x0;
	p2 =	sgt.s32 s20, $0x1  }
0x23: {  	p1 =	slt.u32 s13, $0x2;
	s20 =	smov.u32 @p2 s2;
	p2 =	sne.s32 s13, s8  }
.Ltmp1:
0x24: {  	s19 =	simm.s32 @!p1 $0x2;
	(pc) =	sbr.rel @!p2 .LBB1_6-.Ltmp1, $4  }
0x25: {  	s16 =	smov.u32 s10;
	s15 =	smov.u32 s12;
	_ =	swait.ge @!p1 [sflag:s19], $0x4000  }
0x26: {  	p0 =	por !p0, !p0;
	[sflag:s19] =	ssyncset.done @!p1 $0x0;
	s10 =	smov.u32 s17  }
0x27: {  	s18 =	smov.u32 @p3 s1;
	s14 =	smov.u32 s11;
	[sflag:s19] =	ssyncadd.s32 @!p1 $0xFFFFC000  }
0x28: {  	s11 =	smov.u32 s18;
	s13 =	sadd.s32 $0x1, s13;
	s12 =	smov.u32 s20  }
.LBB1_1:
0x29: {  	p1 =	sge.u32 s13, s7;
	s31 =	sadd.s32 $0xFFFFFFFF, s13  }
0x2a: {  	s17 =	sxor.u32 @!p1 $0xFFFFFFFF, s13;
	s18 =	sand.u32 @!p1 $0x78, s10;
	s19 =	sshll.u32 @!p1 s11, $0xB  }
0x2b: {  	s20 =	sshll.u32 @!p1 s11, $0x7;
	s21 =	sshll.u32 @!p1 s10, $0x3;
	s17 =	sshll.u32 @!p1 s17, $0xE  }
0x2c: {  	s19 =	sand.u32 @!p1 $0xFFC000, s19;
	s20 =	sand.u32 @!p1 $0x380, s20;
	s17 =	sand.u32 @!p1 $0x4000, s17  }
0x2d: {  	s19 =	sadd.s32 @!p1 s19, s21;
	s21 =	sand.u32 @!p1 $0x400, s21;
	s18 =	sor.u32 @!p1 s20, s18  }
0x2e: {  	s20 =	sshll.u32 @!p1 s12, $0x15;
	s18 =	sor.u32 @!p1 s21, s18;
	s19 =	sshrl.u32 @!p1 s19, $0x3  }
0x2f: {  	s20 =	sadd.s32 @!p1 s4, s20;
	s21 =	sand.u32 @!p1 $0x7, s10;
	s19 =	sand.u32 @!p1 $0x1FFF00, s19  }
0x30: {  	s18 =	sshrl.u32 @!p1 s18, $0x3;
	s19 =	sadd.s32 @!p1 s19, s20;
	s20 =	sshll.u32 @!p1 s21, $0x12  }
0x31: {  	s18 =	sadd.s32 @!p1 s18, s19;
	s19 =	sor.u32 @!p1 $0x400, s20;
	s20 =	simm.s32 @!p1 $0x4000  }
0x32: {  	[tilespmem:s17], [sflag:$0x1] =	stream.strided.gather @!p1 [hbm4b:s18+s19], $0x4000, s20, s19, $0x38;
	[tilespmem:$0x10100] =	vst v63  }
0x33: {  	p1 =	sge.u32 s31, s7  }
.Ltmp2:
0x34: {  	_ = 	snop;
	(pc) =	sbr.rel @p1 .LBB1_5-.Ltmp2, $1  }
0x35: {  	_ =	sdelay $0x3  }
0x36: {  	s17 =	simm.s32 $0x1  }
0x37: {  	_ =	swait.ge [sflag:s6], $0x4000;
	s17 =	simm.s32 @!p0 $0x0  }
0x38: {  	[sflag:s6] =	ssyncset.done $0x0;
	s18 =	sshll.u32 s17, $0xE  }
0x39: {  	[sflag:s6] =	ssyncadd.s32 $0xFFFFC000;
	s19 =	sor.u32 $0x40, s18  }
0x3a: {  	s17 =	smul.u32 $0x10200, s17;
	v0 =	vld [tilespmem:s19+$0x30]  }
0x3b: {  	v3 =	vld [tilespmem:s19+$0xFFFFFFD0]  }
0x3c: {  	s17 =	sshrl.u32 s17, $0x2;
	v4 =	vld [tilespmem:s19+$0xFFFFFFE0]  }
0x3d: {  	v5 =	vld [tilespmem:s19+$0xFFFFFFF0];
	s18 =	sor.u32 $0x8000, s17  }
0x3e: {  	s31 =	sand.u32 $0x1, s13;
	v1 =	vld [tilespmem:s19+$0x0];
	s20 =	sadd.s32 $0x0, s18  }
0x3f: {  	v2 =	vld [tilespmem:s19+$0x10];
	s17 =	smul.u32 $0x10200, s31;
	[tilespmem:s20+$0x3870 ss:$0x81] =	vst.msk $0xffff, v0  }
0x40: {  	[tilespmem:s20+$0x810 ss:$0x81] =	vst.msk $0xffff, v3;
	v3 =	vld [tilespmem:s19+$0x20]  }
0x41: {  	s17 =	sshrl.u32 s17, $0x2;
	v0 =	vld [tilespmem:s19+$0xFFFFFFC0];
	[tilespmem:s20+$0x1020 ss:$0x81] =	vst.msk $0xffff, v4;
	s19 =	sadd.s32 $0x80, s19  }
0x42: {  	s21 =	simm.s32 $0x4;
	s22 =	simm.s32 $0x8;
	s17 =	sor.u32 $0x8000, s17;
	[tilespmem:s20+$0x1830 ss:$0x81] =	vst.msk $0xffff, v5;
	v4 =	vld [tilespmem:s19+$0x30]  }
.LBB1_3:
0x43: {  	p1 =	sne.s32 s22, $0x1FC;
	v5 =	vld [tilespmem:s19+$0xFFFFFFD0];
	[tilespmem:s20+$0x2040 ss:$0x81] =	vst.msk $0xffff, v1  }
0x44: {  	v6 =	vld [tilespmem:s19+$0xFFFFFFE0];
	[tilespmem:s20+$0x2850 ss:$0x81] =	vst.msk $0xffff, v2  }
0x45: {  	s23 =	sshra.s32 s21, $0x2;
	s21 =	smov.u32 s22;
	v7 =	vld [tilespmem:s19+$0xFFFFFFF0];
	[tilespmem:s20+$0x3060 ss:$0x81] =	vst.msk $0xffff, v3  }
.Ltmp3:
0x46: {  	v1 =	vld [tilespmem:s19+$0x0];
	[tilespmem:s20+$0x0 ss:$0x81] =	vst.msk $0xffff, v0;
	s20 =	sadd.s32 s23, s18;
	(pc) =	sbr.rel @p1 .LBB1_3-.Ltmp3, $4  }
0x47: {  	v2 =	vld [tilespmem:s19+$0x10];
	[tilespmem:s20+$0x3870 ss:$0x81] =	vst.msk $0xffff, v4  }
0x48: {  	[tilespmem:s20+$0x810 ss:$0x81] =	vst.msk $0xffff, v5;
	v3 =	vld [tilespmem:s19+$0x20]  }
0x49: {  	v0 =	vld [tilespmem:s19+$0xFFFFFFC0];
	[tilespmem:s20+$0x1020 ss:$0x81] =	vst.msk $0xffff, v6;
	s19 =	sadd.s32 $0x80, s19  }
0x4a: {  	s22 =	sadd.s32 $0x4, s22;
	v4 =	vld [tilespmem:s19+$0x30];
	[tilespmem:s20+$0x1830 ss:$0x81] =	vst.msk $0xffff, v7  }
.Ltmp4:
0x4b: {  	_ = 	snop;
	(pc) =	sbr.rel .LBB1_4-.Ltmp4, $1  }
0x4c: {  	_ =	sdelay $0x3  }
.LBB1_6:
0x4d: {  	_ =	sfence.sel $0x180000  }
0x4e: {  	s1 =	simm.s32 $0x1;
	[bflag:$0x0] =	sbarrier.arrive $0xFFFF  }
0x4f: {  	s31 =	simm.s32 $0x2;
	[sflag:s1] =	ssyncpa.u1 $0x1  }
0x50: {  	[sflag:s31] =	ssyncpa.u1 $0x1  }
0x51: {  	p0 =	sne.s32 s0, $0x0;
	_ =	strace $0x9000004A  }
0x52: {  	s0 =	sadd.s32 @!p0 $0x100000, s3;
	[bflag:$0x2] =	sbarrier.arrive $0xFFFF  }
0x53: {  	[sflag:s0] =	ssyncadd.tile.s32 @!p0 $0x1;
	_ =	shalt  }
.Lfunc_end1:
_tile_overlayer_lowered:
.L_overlay_start_2:
0x54: {  	(tag) =	ssettag $0x2  }
0x55: {  	s0 =	rddreg [dreg:$0x0];
	s2 =	stileid.u32  }
0x56: {  	s1 =	rddreg [dreg:$0x1];
	p0 =	sne.s32 s2, $0x0  }
0x57: {  	s3 =	rddreg [dreg:$0x2];
	[bflag:$0x3] =	sbarrier.arrive $0xFFFF;
	s2 =	simm.s32 @!p0 $0x1C01  }
0x58: {  	[timem:s3], [sflag:s2] =	dma.local @!p0 [hbm:s0], s1  }
0x59: {  	s0 =	simm.s32 @!p0 $0x1  }
0x5a: {  	_ =	swait.ge @!p0 [sflag:s0], s1  }
0x5b: {  	s1 =	ssub.s32 @!p0 $0x0, s1;
	[sflag:s0] =	ssyncset.done @!p0 $0x0  }
0x5c: {  	[sflag:s0] =	ssyncadd.s32 @!p0 s1  }
0x5d: {  	[bflag:$0x3] =	sbarrier.arrive $0xFFFF  }
0x5e: {  	_ =	shalt  }

</sc_bundles>
